<compile_context>
chip_gen: v7x
topology: tpu7x:2x2x1
jax: 0.10.2.dev20260603
libtpu: 0.0.44.dev20260713+nightly
codegen_flags: <defaults>
</compile_context>

<pallas_src>
import functools

import jax
import jax.numpy as jnp
from jax import lax
from jax.experimental import pallas as pl
from jax.experimental.pallas import tpu as pltpu
from jax.experimental.pallas import tpu_sc as plsc

_B, _S, _H = 4, 4096, 2048
_L = 16


@functools.partial(
    pl.kernel,
    mesh=plsc.VectorSubcoreMesh(
        core_axis_name="c", subcore_axis_name="s", num_cores=1
    ),
    out_type=jax.ShapeDtypeStruct((_B, _H), jnp.float32),
    scratch_types=[
        pltpu.VMEM((_S,), jnp.int32),
        pltpu.VMEM((1, _H), jnp.float32),
        pltpu.SemaphoreType.DMA,
    ],
)
def _last_pool_sc(data_hbm, mask_hbm, out_hbm, mask_v, row_v, sem):
    wid = lax.axis_index("s")

    @pl.when(wid < _B)
    def _():
        b = wid
        spec_in = pltpu.async_copy(
            data_hbm.at[b, pl.ds(_S - 1, 1)], row_v, sem
        )
        pltpu.sync_copy(mask_hbm.at[pl.ds(b * _S, _S)], mask_v)
        spec_in.wait()
        spec_out = pltpu.async_copy(row_v, out_hbm.at[pl.ds(b, 1)], sem)

        def body(i, acc):
            return acc + mask_v[pl.ds(i * _L, _L)]

        acc = lax.fori_loop(
            0, _S // _L, body, jnp.zeros((_L,), jnp.int32), unroll=8
        )
        length = acc[0]
        for j in range(1, _L):
            length = length + acc[j]
        t = jnp.where(length > 0, length - 1, _S - 1)
        spec_out.wait()

        @pl.when(t != _S - 1)
        def _():
            pltpu.sync_copy(data_hbm.at[b, pl.ds(t, 1)], row_v)
            pltpu.sync_copy(row_v, out_hbm.at[pl.ds(b, 1)])


def kernel(data, padding_mask):
    return _last_pool_sc(data, padding_mask.astype(jnp.int32).reshape(-1))

# --- scband reference (transcript-rebuilt; emitter-appended) ---
"""Pipeline reference for scband-last-pooling-5987184410819 (READ-ONLY COPY).

The authoritative reference and input builder live on the scoring server;
editing this copy changes nothing except your own understanding.
"""

import jax, jax.numpy as jnp
import numpy as np

B, S, H = 4, 4096, 2048

def setup_inputs(seed: int = 0) -> dict:
    key = jax.random.key(seed)
    k1, _ = jax.random.split(key)
    data = jax.random.normal(k1, (B, S, H), dtype=jnp.float32)
    padding_mask = jnp.ones((B, S), dtype=jnp.bool_)
    return {"data": data, "padding_mask": padding_mask}

def reference(data, padding_mask):
    # lengths from the padding mask (number of valid tokens per sequence)
    lengths = jnp.sum(padding_mask.astype(jnp.int32), axis=1)
    batch_idx = jnp.arange(data.shape[0], dtype=jnp.int32)
    # gather the last valid hidden state per sequence: [B, H]
    out = data[batch_idx, lengths - 1, :]
    return out

if __name__ == "__main__":
    import jax
    _d = setup_inputs()
    print(jax.jit(kernel)(*tuple(_d.values())))

</pallas_src>

<mosaic_0001>
#map = affine_map<(d0, d1) -> (0, 0, 0)>
#map1 = affine_map<(d0, d1) -> (0)>
#map2 = affine_map<(d0, d1) -> (0, 0)>
module attributes {stable_mosaic.version = 14 : i64} {
  func.func @_last_pool_sc(%arg0: i32, %arg1: i32, %arg2: memref<4x4096x2048xf32, #tpu.memory_space<hbm>>, %arg3: memref<16384xi32, #tpu.memory_space<hbm>>, %arg4: memref<4x2048xf32, #tpu.memory_space<hbm>>, %arg5: memref<4096xi32, #tpu.memory_space<vmem>>, %arg6: memref<1x2048xf32, #tpu.memory_space<vmem>>, %arg7: memref<!tpu.dma_semaphore, #tpu.memory_space<semaphore_mem>>) attributes {dimension_semantics = [#tpu.dimension_semantics<core_parallel>, #tpu.dimension_semantics<subcore_parallel>], iteration_bounds = array<i64: 1, 16>, scalar_prefetch = 0 : i64, scratch_operands = 3 : i64, tpu.core_type = #tpu.core_type<sc_vector_subcore>, window_params = [{transform_indices = #map}, {transform_indices = #map1}, {transform_indices = #map2}]} {
    %lt3A = arith.constant 4 : i32
    %lt3A_0 = arith.cmpi slt, %arg1, %lt3A : i32
    %convert_element_type3A = arith.extui %lt3A_0 : i1 to i32
    %cond3A = arith.constant 0 : i32
    %cond3A_1 = arith.cmpi ne, %convert_element_type3A, %cond3A : i32
    scf.if %cond3A_1 {
      %dma_start3A = arith.constant 4095 : i32
      %dma_start3A_2 = arith.constant 0 : i32
      %dma_start3A_3 = tpu.memref_slice %arg2[%arg1, %dma_start3A, %dma_start3A_2] : memref<4x4096x2048xf32, #tpu.memory_space<hbm>> -> memref<1x1x2048xf32, #tpu.memory_space<hbm>>
      %dma_start3A_4 = tpu.memref_squeeze %dma_start3A_3 : memref<1x1x2048xf32, #tpu.memory_space<hbm>> -> memref<1x2048xf32, #tpu.memory_space<hbm>>
      %dma_start3A_5 = arith.constant 4095 : i32
      %dma_start3A_6 = arith.constant 0 : i32
      %dma_start3A_7 = tpu.memref_slice %arg2[%arg1, %dma_start3A_5, %dma_start3A_6] : memref<4x4096x2048xf32, #tpu.memory_space<hbm>> -> memref<1x1x2048xf32, #tpu.memory_space<hbm>>
      %dma_start3A_8 = tpu.memref_squeeze %dma_start3A_7 : memref<1x1x2048xf32, #tpu.memory_space<hbm>> -> memref<1x2048xf32, #tpu.memory_space<hbm>>
      tpu.enqueue_dma source(%dma_start3A_8 : memref<1x2048xf32, #tpu.memory_space<hbm>>) target(%arg6 : memref<1x2048xf32, #tpu.memory_space<vmem>>) target_semaphore(%arg7 : memref<!tpu.dma_semaphore, #tpu.memory_space<semaphore_mem>>)
      %mul3A = arith.constant 4096 : i32
      %mul3A_9 = arith.muli %arg1, %mul3A : i32
      "tpu.region"() ({
        %run_scoped3A = tpu.sem_alloc : memref<!tpu.dma_semaphore, #tpu.memory_space<semaphore_mem>>
        %dma_start3A_81 = tpu.memref_slice %arg3[%mul3A_9] : memref<16384xi32, #tpu.memory_space<hbm>> -> memref<4096xi32, #tpu.memory_space<hbm>>
        %dma_start3A_82 = tpu.memref_slice %arg3[%mul3A_9] : memref<16384xi32, #tpu.memory_space<hbm>> -> memref<4096xi32, #tpu.memory_space<hbm>>
        tpu.enqueue_dma source(%dma_start3A_82 : memref<4096xi32, #tpu.memory_space<hbm>>) target(%arg5 : memref<4096xi32, #tpu.memory_space<vmem>>) target_semaphore(%run_scoped3A : memref<!tpu.dma_semaphore, #tpu.memory_space<semaphore_mem>>)
        %dma_wait3A_83 = tpu.memref_slice %arg3[%mul3A_9] : memref<16384xi32, #tpu.memory_space<hbm>> -> memref<4096xi32, #tpu.memory_space<hbm>>
        %dma_wait3A_84 = tpu.memref_slice %arg3[%mul3A_9] : memref<16384xi32, #tpu.memory_space<hbm>> -> memref<4096xi32, #tpu.memory_space<hbm>>
        tpu.wait_dma2 semaphore(%run_scoped3A : memref<!tpu.dma_semaphore, #tpu.memory_space<semaphore_mem>>) src(%dma_wait3A_84 : memref<4096xi32, #tpu.memory_space<hbm>>) dst(%arg5 : memref<4096xi32, #tpu.memory_space<vmem>>)
        tpu.yield
      }) : () -> ()
      %dma_wait3A = arith.constant 4095 : i32
      %dma_wait3A_10 = arith.constant 0 : i32
      %dma_wait3A_11 = tpu.memref_slice %arg2[%arg1, %dma_wait3A, %dma_wait3A_10] : memref<4x4096x2048xf32, #tpu.memory_space<hbm>> -> memref<1x1x2048xf32, #tpu.memory_space<hbm>>
      %dma_wait3A_12 = tpu.memref_squeeze %dma_wait3A_11 : memref<1x1x2048xf32, #tpu.memory_space<hbm>> -> memref<1x2048xf32, #tpu.memory_space<hbm>>
      %dma_wait3A_13 = arith.constant 4095 : i32
      %dma_wait3A_14 = arith.constant 0 : i32
      %dma_wait3A_15 = tpu.memref_slice %arg2[%arg1, %dma_wait3A_13, %dma_wait3A_14] : memref<4x4096x2048xf32, #tpu.memory_space<hbm>> -> memref<1x1x2048xf32, #tpu.memory_space<hbm>>
      %dma_wait3A_16 = tpu.memref_squeeze %dma_wait3A_15 : memref<1x1x2048xf32, #tpu.memory_space<hbm>> -> memref<1x2048xf32, #tpu.memory_space<hbm>>
      tpu.wait_dma2 semaphore(%arg7 : memref<!tpu.dma_semaphore, #tpu.memory_space<semaphore_mem>>) src(%dma_wait3A_16 : memref<1x2048xf32, #tpu.memory_space<hbm>>) dst(%arg6 : memref<1x2048xf32, #tpu.memory_space<vmem>>)
      %dma_start3A_17 = arith.constant 0 : i32
      %dma_start3A_18 = tpu.memref_slice %arg4[%arg1, %dma_start3A_17] : memref<4x2048xf32, #tpu.memory_space<hbm>> -> memref<1x2048xf32, #tpu.memory_space<hbm>>
      %dma_start3A_19 = arith.constant 0 : i32
      %dma_start3A_20 = tpu.memref_slice %arg4[%arg1, %dma_start3A_19] : memref<4x2048xf32, #tpu.memory_space<hbm>> -> memref<1x2048xf32, #tpu.memory_space<hbm>>
      tpu.enqueue_dma source(%arg6 : memref<1x2048xf32, #tpu.memory_space<vmem>>) target(%dma_start3A_20 : memref<1x2048xf32, #tpu.memory_space<hbm>>) target_semaphore(%arg7 : memref<!tpu.dma_semaphore, #tpu.memory_space<semaphore_mem>>)
      %broadcast_in_dim3A = arith.constant 0 : i32
      %broadcast_in_dim3A_21 = vector.broadcast %broadcast_in_dim3A : i32 to vector<16xi32>
      %scan3A = arith.constant 0 : i32
      %scan3A_22 = arith.constant 256 : i32
      %scan3A_23 = arith.addi %scan3A, %scan3A_22 : i32
      %scan3A_24 = arith.constant 8 : i32
      %scan3A_25 = scf.for %scan3A_81 = %scan3A to %scan3A_23 step %scan3A_24 iter_args(%scan3A_82 = %broadcast_in_dim3A_21) -> (vector<16xi32>)  : i32 {
        %mul3A_83 = arith.constant 16 : i32
        %mul3A_84 = arith.muli %scan3A_81, %mul3A_83 : i32
        %get3A = arith.index_cast %mul3A_84 : i32 to index
        %get3A_85 = tpu.vector_load %arg5[%get3A] {strides = array<i32>} : memref<4096xi32, #tpu.memory_space<vmem>>, vector<16xi32>,
        %get3A_86 = vector.shape_cast %get3A_85 : vector<16xi32> to vector<16xi32>
        %add3A_87 = arith.addi %scan3A_82, %get3A_86 : vector<16xi32>
        %scan3A_88 = arith.constant 1 : i32
        %scan3A_89 = arith.addi %scan3A_81, %scan3A_88 : i32
        %mul3A_90 = arith.constant 16 : i32
        %mul3A_91 = arith.muli %scan3A_89, %mul3A_90 : i32
        %get3A_92 = arith.index_cast %mul3A_91 : i32 to index
        %get3A_93 = tpu.vector_load %arg5[%get3A_92] {strides = array<i32>} : memref<4096xi32, #tpu.memory_space<vmem>>, vector<16xi32>,
        %get3A_94 = vector.shape_cast %get3A_93 : vector<16xi32> to vector<16xi32>
        %add3A_95 = arith.addi %add3A_87, %get3A_94 : vector<16xi32>
        %scan3A_96 = arith.constant 2 : i32
        %scan3A_97 = arith.addi %scan3A_81, %scan3A_96 : i32
        %mul3A_98 = arith.constant 16 : i32
        %mul3A_99 = arith.muli %scan3A_97, %mul3A_98 : i32
        %get3A_100 = arith.index_cast %mul3A_99 : i32 to index
        %get3A_101 = tpu.vector_load %arg5[%get3A_100] {strides = array<i32>} : memref<4096xi32, #tpu.memory_space<vmem>>, vector<16xi32>,
        %get3A_102 = vector.shape_cast %get3A_101 : vector<16xi32> to vector<16xi32>
        %add3A_103 = arith.addi %add3A_95, %get3A_102 : vector<16xi32>
        %scan3A_104 = arith.constant 3 : i32
        %scan3A_105 = arith.addi %scan3A_81, %scan3A_104 : i32
        %mul3A_106 = arith.constant 16 : i32
        %mul3A_107 = arith.muli %scan3A_105, %mul3A_106 : i32
        %get3A_108 = arith.index_cast %mul3A_107 : i32 to index
        %get3A_109 = tpu.vector_load %arg5[%get3A_108] {strides = array<i32>} : memref<4096xi32, #tpu.memory_space<vmem>>, vector<16xi32>,
        %get3A_110 = vector.shape_cast %get3A_109 : vector<16xi32> to vector<16xi32>
        %add3A_111 = arith.addi %add3A_103, %get3A_110 : vector<16xi32>
        %scan3A_112 = arith.constant 4 : i32
        %scan3A_113 = arith.addi %scan3A_81, %scan3A_112 : i32
        %mul3A_114 = arith.constant 16 : i32
        %mul3A_115 = arith.muli %scan3A_113, %mul3A_114 : i32
        %get3A_116 = arith.index_cast %mul3A_115 : i32 to index
        %get3A_117 = tpu.vector_load %arg5[%get3A_116] {strides = array<i32>} : memref<4096xi32, #tpu.memory_space<vmem>>, vector<16xi32>,
        %get3A_118 = vector.shape_cast %get3A_117 : vector<16xi32> to vector<16xi32>
        %add3A_119 = arith.addi %add3A_111, %get3A_118 : vector<16xi32>
        %scan3A_120 = arith.constant 5 : i32
        %scan3A_121 = arith.addi %scan3A_81, %scan3A_120 : i32
        %mul3A_122 = arith.constant 16 : i32
        %mul3A_123 = arith.muli %scan3A_121, %mul3A_122 : i32
        %get3A_124 = arith.index_cast %mul3A_123 : i32 to index
        %get3A_125 = tpu.vector_load %arg5[%get3A_124] {strides = array<i32>} : memref<4096xi32, #tpu.memory_space<vmem>>, vector<16xi32>,
        %get3A_126 = vector.shape_cast %get3A_125 : vector<16xi32> to vector<16xi32>
        %add3A_127 = arith.addi %add3A_119, %get3A_126 : vector<16xi32>
        %scan3A_128 = arith.constant 6 : i32
        %scan3A_129 = arith.addi %scan3A_81, %scan3A_128 : i32
        %mul3A_130 = arith.constant 16 : i32
        %mul3A_131 = arith.muli %scan3A_129, %mul3A_130 : i32
        %get3A_132 = arith.index_cast %mul3A_131 : i32 to index
        %get3A_133 = tpu.vector_load %arg5[%get3A_132] {strides = array<i32>} : memref<4096xi32, #tpu.memory_space<vmem>>, vector<16xi32>,
        %get3A_134 = vector.shape_cast %get3A_133 : vector<16xi32> to vector<16xi32>
        %add3A_135 = arith.addi %add3A_127, %get3A_134 : vector<16xi32>
        %scan3A_136 = arith.constant 7 : i32
        %scan3A_137 = arith.addi %scan3A_81, %scan3A_136 : i32
        %mul3A_138 = arith.constant 16 : i32
        %mul3A_139 = arith.muli %scan3A_137, %mul3A_138 : i32
        %get3A_140 = arith.index_cast %mul3A_139 : i32 to index
        %get3A_141 = tpu.vector_load %arg5[%get3A_140] {strides = array<i32>} : memref<4096xi32, #tpu.memory_space<vmem>>, vector<16xi32>,
        %get3A_142 = vector.shape_cast %get3A_141 : vector<16xi32> to vector<16xi32>
        %add3A_143 = arith.addi %add3A_135, %get3A_142 : vector<16xi32>
        scf.yield %add3A_143 : vector<16xi32>
      }
      %scan3A_26 = arith.constant 256 : i32
      %slice3A = vector.extract_strided_slice %scan3A_25 {offsets = [0], sizes = [1], strides = [1]} : vector<16xi32> to vector<1xi32>
      %squeeze3A = vector.extract %slice3A[0] : i32 from vector<1xi32>
      %slice3A_27 = vector.extract_strided_slice %scan3A_25 {offsets = [1], sizes = [1], strides = [1]} : vector<16xi32> to vector<1xi32>
      %squeeze3A_28 = vector.extract %slice3A_27[0] : i32 from vector<1xi32>
      %add3A = arith.addi %squeeze3A, %squeeze3A_28 : i32
      %slice3A_29 = vector.extract_strided_slice %scan3A_25 {offsets = [2], sizes = [1], strides = [1]} : vector<16xi32> to vector<1xi32>
      %squeeze3A_30 = vector.extract %slice3A_29[0] : i32 from vector<1xi32>
      %add3A_31 = arith.addi %add3A, %squeeze3A_30 : i32
      %slice3A_32 = vector.extract_strided_slice %scan3A_25 {offsets = [3], sizes = [1], strides = [1]} : vector<16xi32> to vector<1xi32>
      %squeeze3A_33 = vector.extract %slice3A_32[0] : i32 from vector<1xi32>
      %add3A_34 = arith.addi %add3A_31, %squeeze3A_33 : i32
      %slice3A_35 = vector.extract_strided_slice %scan3A_25 {offsets = [4], sizes = [1], strides = [1]} : vector<16xi32> to vector<1xi32>
      %squeeze3A_36 = vector.extract %slice3A_35[0] : i32 from vector<1xi32>
      %add3A_37 = arith.addi %add3A_34, %squeeze3A_36 : i32
      %slice3A_38 = vector.extract_strided_slice %scan3A_25 {offsets = [5], sizes = [1], strides = [1]} : vector<16xi32> to vector<1xi32>
      %squeeze3A_39 = vector.extract %slice3A_38[0] : i32 from vector<1xi32>
      %add3A_40 = arith.addi %add3A_37, %squeeze3A_39 : i32
      %slice3A_41 = vector.extract_strided_slice %scan3A_25 {offsets = [6], sizes = [1], strides = [1]} : vector<16xi32> to vector<1xi32>
      %squeeze3A_42 = vector.extract %slice3A_41[0] : i32 from vector<1xi32>
      %add3A_43 = arith.addi %add3A_40, %squeeze3A_42 : i32
      %slice3A_44 = vector.extract_strided_slice %scan3A_25 {offsets = [7], sizes = [1], strides = [1]} : vector<16xi32> to vector<1xi32>
      %squeeze3A_45 = vector.extract %slice3A_44[0] : i32 from vector<1xi32>
      %add3A_46 = arith.addi %add3A_43, %squeeze3A_45 : i32
      %slice3A_47 = vector.extract_strided_slice %scan3A_25 {offsets = [8], sizes = [1], strides = [1]} : vector<16xi32> to vector<1xi32>
      %squeeze3A_48 = vector.extract %slice3A_47[0] : i32 from vector<1xi32>
      %add3A_49 = arith.addi %add3A_46, %squeeze3A_48 : i32
      %slice3A_50 = vector.extract_strided_slice %scan3A_25 {offsets = [9], sizes = [1], strides = [1]} : vector<16xi32> to vector<1xi32>
      %squeeze3A_51 = vector.extract %slice3A_50[0] : i32 from vector<1xi32>
      %add3A_52 = arith.addi %add3A_49, %squeeze3A_51 : i32
      %slice3A_53 = vector.extract_strided_slice %scan3A_25 {offsets = [10], sizes = [1], strides = [1]} : vector<16xi32> to vector<1xi32>
      %squeeze3A_54 = vector.extract %slice3A_53[0] : i32 from vector<1xi32>
      %add3A_55 = arith.addi %add3A_52, %squeeze3A_54 : i32
      %slice3A_56 = vector.extract_strided_slice %scan3A_25 {offsets = [11], sizes = [1], strides = [1]} : vector<16xi32> to vector<1xi32>
      %squeeze3A_57 = vector.extract %slice3A_56[0] : i32 from vector<1xi32>
      %add3A_58 = arith.addi %add3A_55, %squeeze3A_57 : i32
      %slice3A_59 = vector.extract_strided_slice %scan3A_25 {offsets = [12], sizes = [1], strides = [1]} : vector<16xi32> to vector<1xi32>
      %squeeze3A_60 = vector.extract %slice3A_59[0] : i32 from vector<1xi32>
      %add3A_61 = arith.addi %add3A_58, %squeeze3A_60 : i32
      %slice3A_62 = vector.extract_strided_slice %scan3A_25 {offsets = [13], sizes = [1], strides = [1]} : vector<16xi32> to vector<1xi32>
      %squeeze3A_63 = vector.extract %slice3A_62[0] : i32 from vector<1xi32>
      %add3A_64 = arith.addi %add3A_61, %squeeze3A_63 : i32
      %slice3A_65 = vector.extract_strided_slice %scan3A_25 {offsets = [14], sizes = [1], strides = [1]} : vector<16xi32> to vector<1xi32>
      %squeeze3A_66 = vector.extract %slice3A_65[0] : i32 from vector<1xi32>
      %add3A_67 = arith.addi %add3A_64, %squeeze3A_66 : i32
      %slice3A_68 = vector.extract_strided_slice %scan3A_25 {offsets = [15], sizes = [1], strides = [1]} : vector<16xi32> to vector<1xi32>
      %squeeze3A_69 = vector.extract %slice3A_68[0] : i32 from vector<1xi32>
      %add3A_70 = arith.addi %add3A_67, %squeeze3A_69 : i32
      %gt3A = arith.constant 0 : i32
      %gt3A_71 = arith.cmpi sgt, %add3A_70, %gt3A : i32
      %sub3A = arith.constant 1 : i32
      %sub3A_72 = arith.subi %add3A_70, %sub3A : i32
      %jit3A = arith.constant 4095 : i32
      %select_n3A = arith.select %gt3A_71, %sub3A_72, %jit3A : i32
      %dma_wait3A_73 = arith.constant 0 : i32
      %dma_wait3A_74 = tpu.memref_slice %arg4[%arg1, %dma_wait3A_73] : memref<4x2048xf32, #tpu.memory_space<hbm>> -> memref<1x2048xf32, #tpu.memory_space<hbm>>
      %dma_wait3A_75 = arith.constant 0 : i32
      %dma_wait3A_76 = tpu.memref_slice %arg4[%arg1, %dma_wait3A_75] : memref<4x2048xf32, #tpu.memory_space<hbm>> -> memref<1x2048xf32, #tpu.memory_space<hbm>>
      tpu.wait_dma2 semaphore(%arg7 : memref<!tpu.dma_semaphore, #tpu.memory_space<semaphore_mem>>) src(%arg6 : memref<1x2048xf32, #tpu.memory_space<vmem>>) dst(%dma_wait3A_76 : memref<1x2048xf32, #tpu.memory_space<hbm>>)
      %ne3A = arith.constant 4095 : i32
      %ne3A_77 = arith.cmpi ne, %select_n3A, %ne3A : i32
      %convert_element_type3A_78 = arith.extui %ne3A_77 : i1 to i32
      %cond3A_79 = arith.constant 0 : i32
      %cond3A_80 = arith.cmpi ne, %convert_element_type3A_78, %cond3A_79 : i32
      scf.if %cond3A_80 {
        "tpu.region"() ({
          %run_scoped3A = tpu.sem_alloc : memref<!tpu.dma_semaphore, #tpu.memory_space<semaphore_mem>>
          %dma_start3A_81 = arith.constant 0 : i32
          %dma_start3A_82 = tpu.memref_slice %arg2[%arg1, %select_n3A, %dma_start3A_81] : memref<4x4096x2048xf32, #tpu.memory_space<hbm>> -> memref<1x1x2048xf32, #tpu.memory_space<hbm>>
          %dma_start3A_83 = tpu.memref_squeeze %dma_start3A_82 : memref<1x1x2048xf32, #tpu.memory_space<hbm>> -> memref<1x2048xf32, #tpu.memory_space<hbm>>
          %dma_start3A_84 = arith.constant 0 : i32
          %dma_start3A_85 = tpu.memref_slice %arg2[%arg1, %select_n3A, %dma_start3A_84] : memref<4x4096x2048xf32, #tpu.memory_space<hbm>> -> memref<1x1x2048xf32, #tpu.memory_space<hbm>>
          %dma_start3A_86 = tpu.memref_squeeze %dma_start3A_85 : memref<1x1x2048xf32, #tpu.memory_space<hbm>> -> memref<1x2048xf32, #tpu.memory_space<hbm>>
          tpu.enqueue_dma source(%dma_start3A_86 : memref<1x2048xf32, #tpu.memory_space<hbm>>) target(%arg6 : memref<1x2048xf32, #tpu.memory_space<vmem>>) target_semaphore(%run_scoped3A : memref<!tpu.dma_semaphore, #tpu.memory_space<semaphore_mem>>)
          %dma_wait3A_87 = arith.constant 0 : i32
          %dma_wait3A_88 = tpu.memref_slice %arg2[%arg1, %select_n3A, %dma_wait3A_87] : memref<4x4096x2048xf32, #tpu.memory_space<hbm>> -> memref<1x1x2048xf32, #tpu.memory_space<hbm>>
          %dma_wait3A_89 = tpu.memref_squeeze %dma_wait3A_88 : memref<1x1x2048xf32, #tpu.memory_space<hbm>> -> memref<1x2048xf32, #tpu.memory_space<hbm>>
          %dma_wait3A_90 = arith.constant 0 : i32
          %dma_wait3A_91 = tpu.memref_slice %arg2[%arg1, %select_n3A, %dma_wait3A_90] : memref<4x4096x2048xf32, #tpu.memory_space<hbm>> -> memref<1x1x2048xf32, #tpu.memory_space<hbm>>
          %dma_wait3A_92 = tpu.memref_squeeze %dma_wait3A_91 : memref<1x1x2048xf32, #tpu.memory_space<hbm>> -> memref<1x2048xf32, #tpu.memory_space<hbm>>
          tpu.wait_dma2 semaphore(%run_scoped3A : memref<!tpu.dma_semaphore, #tpu.memory_space<semaphore_mem>>) src(%dma_wait3A_92 : memref<1x2048xf32, #tpu.memory_space<hbm>>) dst(%arg6 : memref<1x2048xf32, #tpu.memory_space<vmem>>)
          tpu.yield
        }) : () -> ()
        "tpu.region"() ({
          %run_scoped3A = tpu.sem_alloc : memref<!tpu.dma_semaphore, #tpu.memory_space<semaphore_mem>>
          %dma_start3A_81 = arith.constant 0 : i32
          %dma_start3A_82 = tpu.memref_slice %arg4[%arg1, %dma_start3A_81] : memref<4x2048xf32, #tpu.memory_space<hbm>> -> memref<1x2048xf32, #tpu.memory_space<hbm>>
          %dma_start3A_83 = arith.constant 0 : i32
          %dma_start3A_84 = tpu.memref_slice %arg4[%arg1, %dma_start3A_83] : memref<4x2048xf32, #tpu.memory_space<hbm>> -> memref<1x2048xf32, #tpu.memory_space<hbm>>
          tpu.enqueue_dma source(%arg6 : memref<1x2048xf32, #tpu.memory_space<vmem>>) target(%dma_start3A_84 : memref<1x2048xf32, #tpu.memory_space<hbm>>) target_semaphore(%run_scoped3A : memref<!tpu.dma_semaphore, #tpu.memory_space<semaphore_mem>>)
          %dma_wait3A_85 = arith.constant 0 : i32
          %dma_wait3A_86 = tpu.memref_slice %arg4[%arg1, %dma_wait3A_85] : memref<4x2048xf32, #tpu.memory_space<hbm>> -> memref<1x2048xf32, #tpu.memory_space<hbm>>
          %dma_wait3A_87 = arith.constant 0 : i32
          %dma_wait3A_88 = tpu.memref_slice %arg4[%arg1, %dma_wait3A_87] : memref<4x2048xf32, #tpu.memory_space<hbm>> -> memref<1x2048xf32, #tpu.memory_space<hbm>>
          tpu.wait_dma2 semaphore(%run_scoped3A : memref<!tpu.dma_semaphore, #tpu.memory_space<semaphore_mem>>) src(%arg6 : memref<1x2048xf32, #tpu.memory_space<vmem>>) dst(%dma_wait3A_88 : memref<1x2048xf32, #tpu.memory_space<hbm>>)
          tpu.yield
        }) : () -> ()
      } else {
      }
    } else {
    }
    return
  }
}

</mosaic_0001>

<sc_bundles>
// kernel: kernel.3.cloned.1.call-start
scs
__scs_entry_jumppad:
0x0: {  	(pc) =	sbr.rel $0x88, $3  }
0x1: {  	(tag) =	ssettag $0x0;
	lr =	simm.s32 $0x1  }
0x2: {  	[smem:$0x3F9F] =	sst lr;
	_ =	strace $0xD0000000  }
0x3: {  	_ = 	snop  }
0x4: {  	_ = 	snop  }
0x5: {  	_ = 	snop  }
0x6: {  	_ = 	snop  }
0x7: {  	_ = 	snop  }
__scs_overlays_trampoline_lowered:
0x8: {  	[smem:$0x3FAE] =	sst s0  }
0x9: {  	[smem:$0x3FAF] =	sst s1  }
0xa: {  	[smem:$0x3FB0] =	sst s2  }
0xb: {  	[smem:$0x3FB1] =	sst s3  }
0xc: {  	[smem:$0x3FB2] =	sst s4  }
0xd: {  	[smem:$0x3FB3] =	sst s5  }
0xe: {  	[smem:$0x3FB4] =	sst s6  }
0xf: {  	[smem:$0x3FB5] =	sst s7  }
0x10: {  	[smem:$0x3FB6] =	sst s8  }
0x11: {  	[smem:$0x3FB7] =	sst s9;
	s0 =	simm.s32 @!p0 $0x0  }
0x12: {  	s1 =	sld [smem:$0x3F9D];
	s0 =	simm.s32 @p0 $0x1  }
0x13: {  	[smem:$0x3FB8] =	sst s0;
	s0 =	simm.s32 @!p1 $0x0  }
0x14: {  	s2 =	sld [smem:$0x3F9C];
	s0 =	simm.s32 @p1 $0x1  }
0x15: {  	[smem:$0x3FB9] =	sst s0;
	s0 =	simm.s32 @!p2 $0x0  }
0x16: {  	s3 =	sld [smem:$0x3FDB];
	s0 =	simm.s32 @p2 $0x1  }
0x17: {  	s4 =	simm.s32 $0x1BF5;
	[smem:$0x3FBB] =	sst s0  }
0x18: {  	s0 =	sld [smem:$0x3F9E];
	_ =	swait.ge [sflag:s4], $0x0  }
0x19: {  	s7 =	sld [smem:$0x3F9F]  }
0x1a: {  	s8 =	sadd.s32 $0xFFFFE003, lr  }
0x1b: {  	s9 =	sadd.s32 $0xFFFFFEF7, lr;
	s5 =	simm.s32 $0xFFFFFFFF;
	p2 =	slt.u32 s8, $0xFFFFF086  }
0x1c: {  	p1 =	slt.u32 s9, $0xF7A;
	s5 =	simm.s32 @!p2 $0x0  }
0x1d: {  	s5 =	simm.s32 @p1 $0x1;
	p0 =	seq.s32 s7, s2  }
0x1e: {  	s7 =	smul.u32 @!p0 $0xF7A, s2;
	p2 =	seq.s32 @!p0 s5, $0x0  }
0x1f: {  	s9 =	smul.u32 $0xF7A, s1;
	s8 =	simm.s32 @!p0 $0x1BF5;
	p2 =	por !p2, p0  }
0x20: {  	[sflag:s8] =	ssyncset.s32 @!p0 $0xFFFFF086;
	s6 =	sadd.s32 @!p0 s3, s7;
	s7 =	simm.s32 @!p0 $0x108  }
0x21: {  	s3 =	sadd.s32 s3, s9;
	s6 =	sadd.s32 @!p0 $0x88, s6;
	s7 =	simm.s32 @p2 $0x1082  }
0x22: {  	[simem:s7], [sflag:s8] =	dma.local @!p0 [hbm:s6], $0xF7A  }
0x23: {  	s9 =	sor.u32 $0xD0000000, s2;
	s6 =	simm.s32 $0x108;
	_ =	swait.ge @!p0 [sflag:s8], $0x0  }
0x24: {  	s3 =	sadd.s32 $0x88, s3;
	s6 =	simm.s32 @!p1 $0x1082;
	[sflag:s4] =	ssyncset.s32 $0xFFFFF086  }
0x25: {  	[simem:s6], [sflag:s4] =	dma.local [hbm:s3], $0xF7A  }
0x26: {  	[smem:$0x3F9F] =	sst s1;
	(tag) =	ssettag s2;
	_ =	strace s9  }
0x27: {  	s1 =	sld [smem:$0x3FAF]  }
0x28: {  	s2 =	sld [smem:$0x3FB0]  }
0x29: {  	s4 =	sld [smem:$0x3FB2]  }
0x2a: {  	p0 =	seq.s32 s5, $0x0;
	s5 =	sld [smem:$0x3FB3]  }
0x2b: {  	s6 =	sld [smem:$0x3FB4]  }
0x2c: {  	s7 =	sld [smem:$0x3FB5]  }
0x2d: {  	s3 =	simm.s32 $0x108;
	s8 =	sld [smem:$0x3FB6]  }
0x2e: {  	s3 =	simm.s32 @!p0 $0x1082;
	s9 =	sld [smem:$0x3FB7]  }
0x2f: {  	lr =	sadd.s32 s0, s3;
	s0 =	sld [smem:$0x3FAE]  }
0x30: {  	s3 =	sld [smem:$0x3FB1]  }
0x31: {  	[smem:$0x3FBA] =	sst s10  }
0x32: {  	s10 =	sld [smem:$0x3FB8];
	_ =	sdelay $0x3  }
0x33: {  	p0 =	seq.s32 s10, $0x1;
	s10 =	sld [smem:$0x3FBA];
	_ =	sdelay $0x3  }
0x34: {  	[smem:$0x3FBA] =	sst s10  }
0x35: {  	s10 =	sld [smem:$0x3FB9];
	_ =	sdelay $0x3  }
0x36: {  	p1 =	seq.s32 s10, $0x1;
	s10 =	sld [smem:$0x3FBA];
	_ =	sdelay $0x3  }
0x37: {  	[smem:$0x3FBA] =	sst s10  }
0x38: {  	s10 =	sld [smem:$0x3FBB]  }
0x39: {  	_ = 	snop;
	(pc) =	sbr.ind lr, $3  }
0x3a: {  	_ = 	snop  }
0x3b: {  	_ = 	snop  }
0x3c: {  	p2 =	seq.s32 s10, $0x1;
	s10 =	sld [smem:$0x3FBA]  }
0x3d: {  	_ =	shalt  }
0x3e: {  	_ =	shalt  }
0x3f: {  	_ =	shalt  }
0x40: {  	_ =	shalt  }
0x41: {  	_ =	shalt  }
0x42: {  	_ =	shalt  }
0x43: {  	_ =	shalt  }
0x44: {  	_ =	shalt  }
0x45: {  	_ =	shalt  }
0x46: {  	_ =	shalt  }
0x47: {  	_ =	shalt  }
0x48: {  	_ =	shalt  }
0x49: {  	_ =	shalt  }
0x4a: {  	_ =	shalt  }
0x4b: {  	_ =	shalt  }
0x4c: {  	_ =	shalt  }
0x4d: {  	_ =	shalt  }
0x4e: {  	_ =	shalt  }
0x4f: {  	_ =	shalt  }
0x50: {  	_ =	shalt  }
0x51: {  	_ =	shalt  }
0x52: {  	_ =	shalt  }
0x53: {  	_ =	shalt  }
0x54: {  	_ =	shalt  }
0x55: {  	_ =	shalt  }
0x56: {  	_ =	shalt  }
0x57: {  	_ =	shalt  }
0x58: {  	_ =	shalt  }
0x59: {  	_ =	shalt  }
0x5a: {  	_ =	shalt  }
0x5b: {  	_ =	shalt  }
0x5c: {  	_ =	shalt  }
0x5d: {  	_ =	shalt  }
0x5e: {  	_ =	shalt  }
0x5f: {  	_ =	shalt  }
0x60: {  	_ =	shalt  }
0x61: {  	_ =	shalt  }
0x62: {  	_ =	shalt  }
0x63: {  	_ =	shalt  }
0x64: {  	_ =	shalt  }
0x65: {  	_ =	shalt  }
0x66: {  	_ =	shalt  }
0x67: {  	_ =	shalt  }
0x68: {  	_ =	shalt  }
0x69: {  	_ =	shalt  }
0x6a: {  	_ =	shalt  }
0x6b: {  	_ =	shalt  }
0x6c: {  	_ =	shalt  }
0x6d: {  	_ =	shalt  }
0x6e: {  	_ =	shalt  }
0x6f: {  	_ =	shalt  }
0x70: {  	_ =	shalt  }
0x71: {  	_ =	shalt  }
0x72: {  	_ =	shalt  }
0x73: {  	_ =	shalt  }
0x74: {  	_ =	shalt  }
0x75: {  	_ =	shalt  }
0x76: {  	_ =	shalt  }
0x77: {  	_ =	shalt  }
0x78: {  	_ =	shalt  }
0x79: {  	_ =	shalt  }
0x7a: {  	_ =	shalt  }
0x7b: {  	_ =	shalt  }
0x7c: {  	_ =	shalt  }
0x7d: {  	_ =	shalt  }
0x7e: {  	_ =	shalt  }
0x7f: {  	_ =	shalt  }
0x80: {  	_ =	shalt  }
0x81: {  	_ =	shalt  }
0x82: {  	_ =	shalt  }
0x83: {  	_ =	shalt  }
0x84: {  	_ =	shalt  }
0x85: {  	_ =	shalt  }
0x86: {  	_ =	shalt  }
0x87: {  	_ =	shalt  }
.Lfunc_end0:
.L_simem_size_0:
called_computation_lowered:
.L_overlay_start_0:
0x88: {  	s0 =	sld [smem:$0x3FD9]  }
0x89: {  	s1 =	sld [smem:$0x3FFE];
	_ =	sdelay $0x3  }
0x8a: {  	s0 =	sadd.s32 s1, s0  }
0x8b: {  	[smem:$0x3FC6] =	sst s0  }
0x8c: {  	_ = 	snop  }
0x8d: {  	s0 =	sld [smem:$0x3FC9]  }
0x8e: {  	s16 =	sld [smem:$0x3FD0];
	(tm) =	ssettm $0x1  }
0x8f: {  	s2 =	sld [smem:$0x3FFB];
	_ =	sdelay $0x3  }
0x90: {  	_ =	strace s2  }
0x91: {  	s2 =	sld [smem:$0x3FFC];
	_ =	sdelay $0x3  }
0x92: {  	_ =	strace s2  }
0x93: {  	s2 =	sld [smem:$0x3FFD];
	_ =	sdelay $0x3  }
0x94: {  	_ =	strace s2  }
0x95: {  	_ =	strace $0x8FFFFFFF  }
0x96: {  	s17 =	sld [smem:$0x3FDB];
	_ =	sdelay $0x1  }
0x97: {  	s3 =	simm.s32 $_scs_section_size  }
0x98: {  	s4 =	simm.s32 $_size__tile_overlayer_lowered;
	s5 =	simm.s32 $_tile_overlayer_lowered  }
0x99: {  	s20 =	simm.s32 $0x1BFF;
	s19 =	sshll.u32 s5, $0x1;
	s2 =	sadd.s32 s3, s17  }
0x9a: {  	s6 =	simm.s32 $0x0;
	s18 =	sshll.u32 s4, $0x1;
	s4 =	sadd.s32 s19, s2  }
0x9b: {  	[timem:s6], [sflag:s20] =	dma.local [hbm:s4], s18  }
0x9c: {  	_ =	swait.ge [sflag:s20], s18  }
0x9d: {  	s3 =	ssub.s32 $0x0, s18;
	[sflag:s20] =	ssyncset.done $0x0  }
0x9e: {  	[sflag:s20] =	ssyncadd.s32 s3;
	_ =	sdelay $0x1  }
0x9f: {  	s21 =	simm.s32 $0x1B8B  }
0xa0: {  	_ =	swait.ge [sflag:s21], $0x1  }
0xa1: {  	[sflag:s21] =	ssyncset.done $0x0  }
0xa2: {  	s23 =	simm.s32 $0x1B8E;
	s22 =	sld [smem:$0x3FFE];
	[sflag:s21] =	ssyncadd.s32 $0xFFFFFFFF  }
0xa3: {  	s24 =	simm.s32 $execute0_lowered;
	[smem:$0x3FD2] =	sst s23  }
0xa4: {  	s4 =	sshll.u32 s24, $0x1;
	_ =	strace $0x80000046;
	[dreg:$0x1] =	wrdreg $0xFFFFFFFF  }
0xa5: {  	s25 =	simm.s32 $_size_execute0_lowered;
	s2 =	sadd.s32 s2, s4;
	[dreg:$0x0] =	wrdreg $0x0  }
0xa6: {  	s4 =	sshll.u32 s25, $0x1;
	[dreg:$0x2] =	wrdreg s2  }
0xa7: {  	[dreg:$0x3] =	wrdreg s4  }
0xa8: {  	[dreg:$0x4] =	wrdreg $0xC0  }
0xa9: {  	_ =	task [dreg:s6], $0x5FFFF  }
0xaa: {  	[dreg:$0x1] =	wrdreg $0xFFFFFFFF  }
0xab: {  	[dreg:$0x0] =	wrdreg $0x60  }
0xac: {  	[dreg:$0x2] =	wrdreg s0  }
0xad: {  	[dreg:$0x3] =	wrdreg s22  }
0xae: {  	[dreg:$0x4] =	wrdreg s16  }
0xaf: {  	[dreg:$0x5] =	wrdreg $0x9  }
0xb0: {  	_ =	task.clear_ibuf [dreg:s6], $0x6FFFF;
	_ =	strace $0x90000046  }
0xb1: {  	s26 =	simm.s32 $0x9;
	_ =	strace $0x80000048  }
0xb2: {  	_ =	swait.ge [sflag:s26], $0x1  }
0xb3: {  	[sflag:s26] =	ssyncadd.s32 $0xFFFFFFFF  }
0xb4: {  	_ =	strace $0x90000048  }
0xb5: {  	_ =	sfence  }
0xb6: {  	s28 =	sld [smem:$0x0];
	_ =	sdelay $0x1  }
0xb7: {  	s29 =	srdreg.scid  }
0xb8: {  	s30 =	sshll.u32 s29, $0xD;
	s31 =	sshrl.u32 s29, $0x2  }
0xb9: {  	s1 =	sand.u32 $0x1, s29;
	s2 =	sand.u32 $0x4000, s30;
	s0 =	sadd.s32 s31, s28  }
0xba: {  	s1 =	sor.u32 s2, s1;
	s0 =	sshll.u32 s0, $0x11  }
0xbb: {  	s0 =	sor.u32 s0, s1  }
0xbc: {  	s0 =	sadd.s32 $0x8F2B, s0  }
0xbd: {  	[sflag:s0] =	ssyncadd.remote.s32 $0x1  }
0xbe: {  	_ =	sfence.sel $0xFFFF  }
0xbf: {  	[dreg:$0x0] =	wrdreg $0xFFFFFFFF;
	(pc) =	sbr.abs _section_cstart, $3  }
0xc0: {  	[dreg:$0x1] =	wrdreg $0xFFFFFFFF  }
0xc1: {  	_ =	task.clear_ibuf [dreg:s6], $0x2FFFF;
	_ =	strace $0x9FFFFFFF  }
0xc2: {  	(tm) =	ssettm $0x7FFFFFFF  }
0xc3: {  	_ =	shalt  }
tec
execute0_lowered:
.L_overlay_start_1:
0x0: {  	(tag) =	ssettag $0x1  }
0x1: {  	s1 =	stileid.u32  }
0x2: {  	p0 =	sgt.u32 s1, $0x3  }
.Ltmp0:
0x3: {  	s2 =	rddreg [dreg:$0x0];
	(pc) =	sbr.rel @p0 .LBB2_4-.Ltmp0, $4  }
0x4: {  	s5 =	rddreg [dreg:$0x1]  }
0x5: {  	s3 =	rddreg [dreg:$0x2];
	s4 =	simm.s32 $0x0  }
0x6: {  	[smem:$0x7FF] =	sst s4  }
0x7: {  	s0 =	rddreg [dreg:$0x3];
	_ =	strace $0x80000047  }
0x8: {  	s6 =	sshll.u32 s1, $0x14;
	s5 =	sadd.s32 $0x400, s5  }
0x9: {  	s7 =	sshll.u32 s1, $0x9;
	s8 =	simm.s32 $0x80;
	s6 =	sadd.s32 s6, s2  }
0xa: {  	s9 =	simm.s32 $0x400;
	s10 =	simm.s32 $0x1000;
	s6 =	sadd.s32 $0xFF870, s6  }
0xb: {  	[tilespmem:s10], [sflag:$0x1] =	stream.strided.gather [hbm4b:s6+s8], $0x800, s9, s8, $0x38;
	[tilespmem:$0x1800] =	vst v63  }
0xc: {  	s26 =	simm.s32 $0x2;
	s5 =	sadd.s32 s5, s7  }
0xd: {  	[tilespmem:s4], [sflag:$0x2] =	stream.linear.gather [hbm4b:s5+s4], $0x1000, $0x38;
	[tilespmem:$0x1800] =	vst v63  }
0xe: {  	_ =	swait.ge [sflag:s26], $0x1000  }
0xf: {  	[sflag:s26] =	ssyncset.done $0x0  }
0x10: {  	s28 =	simm.s32 $0x1;
	[sflag:s26] =	ssyncadd.s32 $0xFFFFF000  }
0x11: {  	_ =	swait.ge [sflag:s28], $0x800  }
0x12: {  	s29 =	sshll.u32 s1, $0x4;
	s30 =	simm.s32 $0x200;
	[sflag:s28] =	ssyncset.done $0x0  }
0x13: {  	s31 =	simm.s32 $0x40;
	s3 =	sadd.s32 s3, s29;
	[sflag:s28] =	ssyncadd.s32 $0xFFFFF800  }
0x14: {  	[hbm4b:s3+s8] =	stream.strided.scatter [tilespmem:s10], [sflag:$0x1], $0x800, s30, s8, $0x38;
	[tilespmem:$0x1800] =	vst v63  }
0x15: {  	v2 =	vld [tilespmem:s31+$0xFFFFFFC0]  }
0x16: {  	v3 =	vld [tilespmem:s31+$0xFFFFFFD0]  }
0x17: {  	v4 =	vld [tilespmem:s31+$0xFFFFFFE0]  }
0x18: {  	v0 =	vld [tilespmem:s31+$0xFFFFFFF0]  }
0x19: {  	v5 =	vimm.s32 $0x0;
	v1 =	vld [tilespmem:s31+$0x0]  }
0x1a: {  	v5 =	vadd.s32 v5, v2;
	v2 =	vld [tilespmem:s31+$0x10]  }
0x1b: {  	v5 =	vadd.s32 v3, v5;
	v3 =	vld [tilespmem:s31+$0x20]  }
0x1c: {  	s6 =	simm.s32 $0xC0;
	s4 =	sshll.u32 s1, $0x17;
	s5 =	simm.s32 $0x0;
	v5 =	vadd.s32 v4, v5;
	v4 =	vld [tilespmem:s31+$0x30]  }
.LBB2_2:
0x1d: {  	v6 =	vld [tilespmem:s6+$0xFFFFFFC0];
	s5 =	sadd.s32 $0x8, s5;
	v0 =	vadd.s32 v0, v5  }
0x1e: {  	v5 =	vld [tilespmem:s6+$0xFFFFFFD0];
	p0 =	slt.u32 s5, $0xF8;
	v0 =	vadd.s32 v1, v0  }
0x1f: {  	v7 =	vld [tilespmem:s6+$0xFFFFFFE0];
	v1 =	vadd.s32 v2, v0  }
.Ltmp1:
0x20: {  	v0 =	vld [tilespmem:s6+$0xFFFFFFF0];
	v2 =	vadd.s32 v3, v1;
	(pc) =	sbr.rel @p0 .LBB2_2-.Ltmp1, $4  }
0x21: {  	v1 =	vld [tilespmem:s6+$0x0];
	v2 =	vadd.s32 v4, v2  }
0x22: {  	v3 =	vadd.s32 v2, v6;
	v2 =	vld [tilespmem:s6+$0x10]  }
0x23: {  	v4 =	vadd.s32 v5, v3;
	v3 =	vld [tilespmem:s6+$0x20]  }
0x24: {  	v5 =	vadd.s32 v7, v4;
	v4 =	vld [tilespmem:s6+$0x30];
	s6 =	sadd.s32 $0x80, s6  }
0x25: {  	v0 =	vadd.s32 v0, v5  }
0x26: {  	v0 =	vadd.s32 v1, v0  }
0x27: {  	v0 =	vadd.s32 v2, v0  }
0x28: {  	v0 =	vadd.s32 v3, v0  }
0x29: {  	v0 =	vadd.s32 v4, v0  }
0x2a: {  	(v2sf) =	vpush v0, $0x0  }
0x2b: {  	(v2sf) =	vpush v0, $0x1  }
0x2c: {  	(v2sf) =	vpush v0, $0x2  }
0x2d: {  	(v2sf) =	vpush v0, $0x3  }
0x2e: {  	(v2sf) =	vpush v0, $0x4  }
0x2f: {  	(v2sf) =	vpush v0, $0x5  }
0x30: {  	(v2sf) =	vpush v0, $0x6  }
0x31: {  	(v2sf) =	vpush v0, $0x7  }
0x32: {  	(v2sf) =	vpush v0, $0x8  }
0x33: {  	(v2sf) =	vpush v0, $0x9  }
0x34: {  	(v2sf) =	vpush v0, $0xA  }
0x35: {  	(v2sf) =	vpush v0, $0xB  }
0x36: {  	(v2sf) =	vpush v0, $0xC  }
0x37: {  	(v2sf) =	vpush v0, $0xD  }
0x38: {  	(v2sf) =	vpush v0, $0xE  }
0x39: {  	s5 =	spop (v2sf);
	(v2sf) =	vpush v0, $0xF  }
0x3a: {  	s6 =	spop (v2sf)  }
0x3b: {  	s5 =	sadd.s32 s6, s5;
	s16 =	spop (v2sf)  }
0x3c: {  	s5 =	sadd.s32 s16, s5;
	s17 =	spop (v2sf)  }
0x3d: {  	s5 =	sadd.s32 s17, s5;
	s18 =	spop (v2sf)  }
0x3e: {  	s5 =	sadd.s32 s18, s5;
	s19 =	spop (v2sf)  }
0x3f: {  	s5 =	sadd.s32 s19, s5;
	s20 =	spop (v2sf)  }
0x40: {  	s5 =	sadd.s32 s20, s5;
	s21 =	spop (v2sf)  }
0x41: {  	s5 =	sadd.s32 s21, s5;
	s22 =	spop (v2sf)  }
0x42: {  	s5 =	sadd.s32 s22, s5;
	s23 =	spop (v2sf)  }
0x43: {  	s5 =	sadd.s32 s23, s5;
	s24 =	spop (v2sf)  }
0x44: {  	s5 =	sadd.s32 s24, s5;
	s25 =	spop (v2sf)  }
0x45: {  	s5 =	sadd.s32 s25, s5;
	s26 =	spop (v2sf)  }
0x46: {  	s5 =	sadd.s32 s26, s5;
	s28 =	spop (v2sf)  }
0x47: {  	s5 =	sadd.s32 s28, s5;
	s29 =	spop (v2sf)  }
0x48: {  	s5 =	sadd.s32 s29, s5;
	s30 =	spop (v2sf)  }
0x49: {  	s5 =	sadd.s32 s30, s5  }
0x4a: {  	p0 =	slt.s32 s5, $0x1;
	s5 =	sadd.s32 $0xFFFFFFFF, s5  }
0x4b: {  	p1 =	seq.s32 @!p0 s5, $0xFFF  }
0x4c: {  	p0 =	por p1, p0  }
0x4d: {  	s6 =	sshll.u32 @!p0 s5, $0xB  }
0x4e: {  	s31 =	simm.s32 $0x1;
	s5 =	sshll.u32 @!p0 s5, $0x7;
	s6 =	sand.u32 @!p0 $0xFFFFC000, s6  }
0x4f: {  	_ =	swait.ge [sflag:s31], $0x800;
	s5 =	sand.u32 @!p0 $0x380, s5;
	s4 =	sadd.s32 @!p0 s4, s6  }
0x50: {  	[sflag:s31] =	ssyncset.done $0x0;
	s4 =	sor.u32 @!p0 s5, s4  }
0x51: {  	[sflag:s31] =	ssyncadd.s32 $0xFFFFF800;
	s6 =	simm.s32 @!p0 $0x1000;
	s4 =	sshrl.u32 @!p0 s4, $0x3  }
0x52: {  	s5 =	simm.s32 @!p0 $0x400;
	s2 =	sadd.s32 @!p0 s2, s4;
	s4 =	simm.s32 @!p0 $0x80  }
0x53: {  	[tilespmem:s6], [sflag:$0x2] =	stream.strided.gather @!p0 [hbm4b:s2+s4], $0x800, s5, s4, $0x38;
	[tilespmem:$0x1800] =	vst v63  }
0x54: {  	s2 =	simm.s32 @!p0 $0x2  }
0x55: {  	_ =	swait.ge @!p0 [sflag:s2], $0x800  }
0x56: {  	[sflag:s2] =	ssyncset.done @!p0 $0x0  }
0x57: {  	s5 =	simm.s32 @!p0 $0x200;
	[sflag:s2] =	ssyncadd.s32 @!p0 $0xFFFFF800  }
0x58: {  	[hbm4b:s3+s4] =	stream.strided.scatter @!p0 [tilespmem:s6], [sflag:$0x2], $0x800, s5, s4, $0x38;
	[tilespmem:$0x1800] =	vst v63  }
0x59: {  	_ =	swait.ge @!p0 [sflag:s2], $0x800  }
0x5a: {  	[sflag:s2] =	ssyncset.done @!p0 $0x0  }
0x5b: {  	[sflag:s2] =	ssyncadd.s32 @!p0 $0xFFFFF800  }
.LBB2_4:
0x5c: {  	_ =	sfence.sel $0x180000  }
0x5d: {  	[bflag:$0x0] =	sbarrier.arrive $0xFFFF  }
0x5e: {  	p0 =	sne.s32 s1, $0x0;
	_ =	strace $0x90000047  }
0x5f: {  	s0 =	sadd.s32 @!p0 $0x100000, s0;
	[bflag:$0x2] =	sbarrier.arrive $0xFFFF  }
0x60: {  	[sflag:s0] =	ssyncadd.tile.s32 @!p0 $0x1;
	_ =	shalt  }
.Lfunc_end2:
_tile_overlayer_lowered:
.L_overlay_start_2:
0x61: {  	(tag) =	ssettag $0x2  }
0x62: {  	s0 =	rddreg [dreg:$0x0];
	s2 =	stileid.u32  }
0x63: {  	s1 =	rddreg [dreg:$0x1];
	p0 =	sne.s32 s2, $0x0  }
0x64: {  	s3 =	rddreg [dreg:$0x2];
	[bflag:$0x3] =	sbarrier.arrive $0xFFFF;
	s2 =	simm.s32 @!p0 $0x1C02  }
0x65: {  	[timem:s3], [sflag:s2] =	dma.local @!p0 [hbm:s0], s1  }
0x66: {  	s0 =	simm.s32 @!p0 $0x2  }
0x67: {  	_ =	swait.ge @!p0 [sflag:s0], s1  }
0x68: {  	s1 =	ssub.s32 @!p0 $0x0, s1;
	[sflag:s0] =	ssyncset.done @!p0 $0x0  }
0x69: {  	[sflag:s0] =	ssyncadd.s32 @!p0 s1  }
0x6a: {  	[bflag:$0x3] =	sbarrier.arrive $0xFFFF  }
0x6b: {  	_ =	shalt  }

</sc_bundles>
